<compile_context>
chip_gen: v7x
topology: tpu7x:2x2x1
jax: 0.10.2.dev20260603
libtpu: 0.0.44.dev20260713+nightly
codegen_flags: <defaults>
</compile_context>

<pallas_src>
import jax
import jax.numpy as jnp
from jax import lax
from jax.experimental import pallas as pl

_EMB = 64
_K = 512
_SPARSITY = 5
_BLK = 1024

_DN = (((1,), (0,)), ((), ()))


def _mm(a, b, prec):
    return lax.dot_general(a, b, _DN, precision=prec,
                           preferred_element_type=jnp.float32)


def _omp_body(s_ref, dn_ref, dnt_ref, coeff_ref, zdl_ref, loss_ref):
    B = s_ref.shape[0]
    S = s_ref[...]
    dn = dn_ref[...]
    dnt = dnt_ref[...]

    G = _mm(dnt, dn, None)
    corr0 = _mm(S, dn, None)
    g1f = G.astype(jnp.bfloat16).astype(jnp.float32)
    g2f = (G - g1f).astype(jnp.bfloat16).astype(jnp.float32)
    g3 = (G - g1f - g2f).astype(jnp.bfloat16)
    g1 = g1f.astype(jnp.bfloat16)
    g2 = g2f.astype(jnp.bfloat16)
    iota = lax.broadcasted_iota(jnp.int32, (B, _K), 1)
    omega = jnp.ones((B, _K), dtype=jnp.bool_)
    corr = corr0
    idxs = []
    rows = []
    vals = []
    L = {(0, 0): jnp.ones((B, 1), jnp.float32)}
    c = []
    for t in range(_SPARSITY):
        a = jnp.abs(jnp.where(omega, corr, 0.0))
        m = jnp.max(a, axis=1, keepdims=True)
        idx = jnp.min(jnp.where(a >= m, iota, _K), axis=1, keepdims=True)
        omega = omega & (iota != idx)
        hot = (iota == idx).astype(jnp.float32)
        val = jnp.sum(hot * corr0, axis=1, keepdims=True)
        idxs.append(idx)
        vals.append(val)
        if t > 0:
            g = [jnp.sum(hot * rows[i], axis=1, keepdims=True)
                 for i in range(t)]
            w = []
            for i in range(t):
                acc = g[i]
                for j in range(i):
                    acc = acc - L[(i, j)] * w[j]
                w.append(acc / L[(i, i)])
            for j in range(t):
                L[(t, j)] = w[j]
            L[(t, t)] = jnp.sqrt(1.0 - sum(wj * wj for wj in w))
        n = t + 1
        y = []
        for i in range(n):
            acc = vals[i]
            for j in range(i):
                acc = acc - L[(i, j)] * y[j]
            y.append(acc / L[(i, i)])
        c = [None] * n
        for i in reversed(range(n)):
            acc = y[i]
            for j in range(i + 1, n):
                acc = acc - L[(j, i)] * c[j]
            c[i] = acc / L[(i, i)]
        if t < _SPARSITY - 1:
            hotb = hot.astype(jnp.bfloat16)
            row = (_mm(hotb, g1, None) + _mm(hotb, g2, None)
                   + _mm(hotb, g3, None))
            rows.append(row)
            beta = c[0] * rows[0]
            for i in range(1, n):
                beta = beta + c[i] * rows[i]
            corr = corr0 - beta
    coeff = c[0] * (iota == idxs[0]).astype(jnp.float32)
    for i in range(1, _SPARSITY):
        coeff = coeff + c[i] * (iota == idxs[i]).astype(jnp.float32)
    coeff_ref[...] = coeff
    zdl = _mm(coeff, dnt, None)
    zdl_ref[...] = zdl
    diff = zdl - S
    part = jnp.sum(jnp.sum(diff * diff, axis=1, keepdims=True),
                   axis=0, keepdims=True)

    @pl.when(pl.program_id(0) == 0)
    def _init():
        loss_ref[...] = jnp.zeros_like(loss_ref)

    loss_ref[...] += part


@jax.jit
def _run(z_e, dictionary):
    bsz, ch, hh, ww = z_e.shape
    n = bsz * hh * ww
    ze_flat = jnp.transpose(z_e, (0, 2, 3, 1)).reshape(ch, n)
    s = ze_flat.T
    dn = dictionary / jnp.linalg.norm(dictionary, axis=0)
    dnt = dn.T
    blk = min(_BLK, n)
    nb = n // blk
    coeff, zdl, loss_sum = pl.pallas_call(
        _omp_body,
        grid=(nb,),
        in_specs=[
            pl.BlockSpec((blk, ch), lambda i: (i, 0)),
            pl.BlockSpec((ch, _K), lambda i: (0, 0)),
            pl.BlockSpec((_K, ch), lambda i: (0, 0)),
        ],
        out_specs=[
            pl.BlockSpec((blk, _K), lambda i: (i, 0)),
            pl.BlockSpec((blk, ch), lambda i: (i, 0)),
            pl.BlockSpec((1, 1), lambda i: (0, 0)),
        ],
        out_shape=[
            jax.ShapeDtypeStruct((n, _K), jnp.float32),
            jax.ShapeDtypeStruct((n, ch), jnp.float32),
            jax.ShapeDtypeStruct((1, 1), jnp.float32),
        ],
    )(s, dn, dnt)
    z_dl_flat = zdl.T
    out = jnp.transpose(z_dl_flat.reshape(bsz, hh, ww, ch), (0, 3, 1, 2))
    loss = 1.25 * loss_sum[0, 0] / (n * ch)
    return out, loss, coeff.T


def kernel(z_e, dictionary):
    return _run(z_e, dictionary)

# --- scband reference (transcript-rebuilt; emitter-appended) ---
"""Pipeline reference for scband-dictionary-learning-16956530885037 (READ-ONLY COPY).

The authoritative reference and input builder live on the scoring server;
editing this copy changes nothing except your own understanding.
"""

import jax, jax.numpy as jnp
import numpy as np

NUM_EMBEDDINGS = 512
EMBEDDING_DIM = 64
SPARSITY_LEVEL = 5
COMMITMENT_COST = 0.25


def setup_inputs(seed: int = 0):
    key = jax.random.key(seed)
    k1, k2 = jax.random.split(key)
    z_e = jax.random.normal(k1, (16, EMBEDDING_DIM, 32, 32), dtype=jnp.float32)
    D = jax.random.normal(k2, (EMBEDDING_DIM, NUM_EMBEDDINGS), dtype=jnp.float32)
    D = D / jnp.linalg.norm(D, axis=0)
    return {"z_e": z_e, "dictionary": D}


def _chol_solve(L, b):
    # torch.cholesky_solve with lower-triangular L: solve (L L^T) x = b
    y = jax.scipy.linalg.solve_triangular(L, b, lower=True)
    return jax.scipy.linalg.solve_triangular(L, y, lower=True, trans=1)


def batch_omp(signals, dictionary):
    embedding_dim, num_signals = signals.shape
    dictionary_t = dictionary.T
    gram = dictionary_t @ dictionary  # [K, K]
    init_corr = (dictionary_t @ signals).T  # [N, K]
    residual = jnp.linalg.norm(signals, axis=0)
    delta = jnp.zeros((num_signals,), dtype=signals.dtype)
    coefficients = jnp.zeros_like(init_corr)
    correlations = init_corr
    L = jnp.ones((num_signals, 1, 1), dtype=signals.dtype)
    I = jnp.zeros((num_signals, 0), dtype=jnp.int32)
    omega = jnp.ones_like(init_corr, dtype=bool)
    signal_idx = jnp.arange(num_signals)
    for k in range(1, SPARSITY_LEVEL + 1):
        k_hats = jnp.argmax(jnp.abs(correlations * omega), axis=1)
        omega = omega.at[signal_idx, k_hats].set(False)
        if k > 1:
            G_ = gram[I, k_hats[:, None]][..., None]  # [N, k-1, 1]
            w = jax.scipy.linalg.solve_triangular(L, G_, lower=True).reshape(num_signals, 1, k - 1)
            w_br = jnp.sqrt(1.0 - jnp.sum(w ** 2, axis=2, keepdims=True))  # [N, 1, 1]
            k_zeros = jnp.zeros((num_signals, k - 1, 1), dtype=signals.dtype)
            L = jnp.concatenate(
                (jnp.concatenate((L, k_zeros), axis=2),
                 jnp.concatenate((w, w_br), axis=2)), axis=1)
        I = jnp.concatenate((I, k_hats[:, None].astype(jnp.int32)), axis=1)  # [N, k]
        corr_sel = jnp.take_along_axis(init_corr, I, axis=1)[..., None]  # [N, k, 1]
        coeffs_ = _chol_solve(L, corr_sel)  # [N, k, 1]
        coefficients = coefficients.at[signal_idx[:, None], I].set(coeffs_[..., 0])
        coeff_sel = jnp.take_along_axis(coefficients, I, axis=1)  # [N, k]
        beta = jnp.einsum('nk,nke->ne', coeff_sel, gram[I])  # [N, K]
        correlations = init_corr - beta
        new_delta = jnp.sum(coefficients * beta, axis=1)
        residual = residual + delta - new_delta
        delta = new_delta
    return coefficients.T  # [K, N]


def reference(z_e, dictionary):
    z = jnp.transpose(z_e, (0, 2, 3, 1))  # [B, H, W, C]
    input_shape = z.shape
    # faithful to torch: raw view of contiguous [B,H,W,C] buffer into [C, B*H*W]
    ze_flat = z.reshape(EMBEDDING_DIM, -1)
    # dictionary is pre-normalized in setup (torch normalizes in-place under no_grad);
    # division here is numerically idempotent
    D = dictionary / jnp.linalg.norm(dictionary, axis=0)
    coefficients = batch_omp(ze_flat, D)
    z_dl = (D @ coefficients).reshape(input_shape)
    e_latent_loss = jnp.mean((jax.lax.stop_gradient(z_dl) - z) ** 2)
    dl_latent_loss = jnp.mean((z_dl - jax.lax.stop_gradient(z)) ** 2)
    loss = COMMITMENT_COST * e_latent_loss + dl_latent_loss
    z_dl_ste = z + jax.lax.stop_gradient(z_dl - z)
    out = jnp.transpose(z_dl_ste, (0, 3, 1, 2))
    return out, loss, coefficients

if __name__ == "__main__":
    import jax
    _d = setup_inputs()
    print(jax.jit(kernel)(*tuple(_d.values())))

</pallas_src>

<mosaic_0001>
module attributes {stable_mosaic.version = 14 : i64} {
  func.func @_omp_body(%arg0: i32, %arg1: memref<1024x64xf32, #tpu.memory_space<vmem>>, %arg2: memref<64x512xf32, #tpu.memory_space<vmem>>, %arg3: memref<512x64xf32, #tpu.memory_space<vmem>>, %arg4: memref<1024x512xf32, #tpu.memory_space<vmem>>, %arg5: memref<1024x64xf32, #tpu.memory_space<vmem>>, %arg6: memref<1x1xf32, #tpu.memory_space<vmem>>) attributes {dimension_semantics = [#tpu.dimension_semantics<arbitrary>], iteration_bounds = array<i64: 16>, scalar_prefetch = 0 : i64, scratch_operands = 0 : i64, tpu.core_type = #tpu.core_type<tc>, window_params = [{transform_indices = @transform_0, window_bounds = array<i64: 1024, 64>}, {pipeline_mode = #tpu.pipeline_mode<synchronous>, transform_indices = @transform_1, window_bounds = array<i64: 64, 512>}, {pipeline_mode = #tpu.pipeline_mode<synchronous>, transform_indices = @transform_2, window_bounds = array<i64: 512, 64>}, {transform_indices = @transform_3, window_bounds = array<i64: 1024, 512>}, {transform_indices = @transform_4, window_bounds = array<i64: 1024, 64>}, {pipeline_mode = #tpu.pipeline_mode<synchronous>, transform_indices = @transform_5, window_bounds = array<i64: 1, 1>}]} {
    %get3A = arith.constant 0 : index
    %get3A_0 = arith.constant 0 : index
    %get3A_1 = vector.load %arg1[%get3A, %get3A_0] : memref<1024x64xf32, #tpu.memory_space<vmem>>, vector<1024x64xf32>
    %get3A_2 = arith.constant 0 : index
    %get3A_3 = arith.constant 0 : index
    %get3A_4 = vector.load %arg2[%get3A_2, %get3A_3] : memref<64x512xf32, #tpu.memory_space<vmem>>, vector<64x512xf32>
    %get3A_5 = arith.constant 0 : index
    %get3A_6 = arith.constant 0 : index
    %get3A_7 = vector.load %arg3[%get3A_5, %get3A_6] : memref<512x64xf32, #tpu.memory_space<vmem>>, vector<512x64xf32>
    %dot_general3A = arith.constant dense<0.000000e+00> : vector<512x512xf32>
    %dot_general3A_8 = tpu.matmul %get3A_7, %get3A_4, %dot_general3A {dimension_numbers = #tpu.dot_dimension_numbers<[1], [0], [0], [1], [0, 0, 1, 1], [], []>, transpose_lhs_hint = false} : vector<512x64xf32>, vector<64x512xf32>, vector<512x512xf32> -> vector<512x512xf32>
    %dot_general3A_9 = arith.constant dense<0.000000e+00> : vector<1024x512xf32>
    %dot_general3A_10 = tpu.matmul %get3A_1, %get3A_4, %dot_general3A_9 {dimension_numbers = #tpu.dot_dimension_numbers<[1], [0], [0], [1], [0, 0, 1, 1], [], []>, transpose_lhs_hint = false} : vector<1024x64xf32>, vector<64x512xf32>, vector<1024x512xf32> -> vector<1024x512xf32>
    %convert_element_type3A = arith.truncf %dot_general3A_8 : vector<512x512xf32> to vector<512x512xbf16>
    %convert_element_type3A_11 = arith.extf %convert_element_type3A : vector<512x512xbf16> to vector<512x512xf32>
    %sub3A = arith.subf %dot_general3A_8, %convert_element_type3A_11 : vector<512x512xf32>
    %convert_element_type3A_12 = arith.truncf %sub3A : vector<512x512xf32> to vector<512x512xbf16>
    %convert_element_type3A_13 = arith.extf %convert_element_type3A_12 : vector<512x512xbf16> to vector<512x512xf32>
    %sub3A_14 = arith.subf %dot_general3A_8, %convert_element_type3A_11 : vector<512x512xf32>
    %sub3A_15 = arith.subf %sub3A_14, %convert_element_type3A_13 : vector<512x512xf32>
    %convert_element_type3A_16 = arith.truncf %sub3A_15 : vector<512x512xf32> to vector<512x512xbf16>
    %convert_element_type3A_17 = arith.truncf %convert_element_type3A_11 : vector<512x512xf32> to vector<512x512xbf16>
    %convert_element_type3A_18 = arith.truncf %convert_element_type3A_13 : vector<512x512xf32> to vector<512x512xbf16>
    %iota3A = tpu.iota {dimensions = array<i32: 1>} : vector<1024x512xi32>
    %broadcast_in_dim3A = arith.constant true
    %broadcast_in_dim3A_19 = vector.broadcast %broadcast_in_dim3A : i1 to vector<1024x512xi1>
    %broadcast_in_dim3A_20 = arith.constant 1.000000e+00 : f32
    %broadcast_in_dim3A_21 = vector.broadcast %broadcast_in_dim3A_20 : f32 to vector<1024x1xf32>
    %jit3A = arith.constant 0.000000e+00 : f32
    %broadcast_in_dim3A_22 = vector.broadcast %jit3A : f32 to vector<1024x512xf32>
    %select_n3A = arith.select %broadcast_in_dim3A_19, %dot_general3A_10, %broadcast_in_dim3A_22 : vector<1024x512xi1>, vector<1024x512xf32>
    %abs3A = math.absf %select_n3A : vector<1024x512xf32>
    %reduce_max3A = arith.constant dense<0xFF800000> : vector<1024xf32>
    %reduce_max3A_23 = vector.multi_reduction <maximumf>, %abs3A, %reduce_max3A [1] : vector<1024x512xf32> to vector<1024xf32>
    %broadcast_in_dim3A_24 = vector.shape_cast %reduce_max3A_23 : vector<1024xf32> to vector<1024x1xf32>
    %ge3A = vector.broadcast %broadcast_in_dim3A_24 : vector<1024x1xf32> to vector<1024x512xf32>
    %ge3A_25 = arith.cmpf oge, %abs3A, %ge3A : vector<1024x512xf32>
    %jit3A_26 = arith.constant 512 : i32
    %broadcast_in_dim3A_27 = vector.broadcast %jit3A_26 : i32 to vector<1024x512xi32>
    %select_n3A_28 = arith.select %ge3A_25, %iota3A, %broadcast_in_dim3A_27 : vector<1024x512xi1>, vector<1024x512xi32>
    %reduce_min3A = arith.constant dense<2147483647> : vector<1024xi32>
    %reduce_min3A_29 = vector.multi_reduction <minsi>, %select_n3A_28, %reduce_min3A [1] : vector<1024x512xi32> to vector<1024xi32>
    %broadcast_in_dim3A_30 = vector.shape_cast %reduce_min3A_29 : vector<1024xi32> to vector<1024x1xi32>
    %ne3A = vector.broadcast %broadcast_in_dim3A_30 : vector<1024x1xi32> to vector<1024x512xi32>
    %ne3A_31 = arith.cmpi ne, %iota3A, %ne3A : vector<1024x512xi32>
    %and3A = arith.andi %broadcast_in_dim3A_19, %ne3A_31 : vector<1024x512xi1>
    %eq3A = vector.broadcast %broadcast_in_dim3A_30 : vector<1024x1xi32> to vector<1024x512xi32>
    %eq3A_32 = arith.cmpi eq, %iota3A, %eq3A : vector<1024x512xi32>
    %convert_element_type3A_33 = arith.extui %eq3A_32 : vector<1024x512xi1> to vector<1024x512xi32>
    %convert_element_type3A_34 = arith.sitofp %convert_element_type3A_33 : vector<1024x512xi32> to vector<1024x512xf32>
    %mul3A = arith.mulf %convert_element_type3A_34, %dot_general3A_10 : vector<1024x512xf32>
    %reduce_sum3A = arith.constant dense<0.000000e+00> : vector<1024xf32>
    %reduce_sum3A_35 = vector.multi_reduction <add>, %mul3A, %reduce_sum3A [1] : vector<1024x512xf32> to vector<1024xf32>
    %broadcast_in_dim3A_36 = vector.shape_cast %reduce_sum3A_35 : vector<1024xf32> to vector<1024x1xf32>
    %div3A = arith.divf %broadcast_in_dim3A_36, %broadcast_in_dim3A_21 : vector<1024x1xf32>
    %div3A_37 = arith.divf %div3A, %broadcast_in_dim3A_21 : vector<1024x1xf32>
    %convert_element_type3A_38 = arith.truncf %convert_element_type3A_34 : vector<1024x512xf32> to vector<1024x512xbf16>
    %dot_general3A_39 = arith.constant dense<0.000000e+00> : vector<1024x512xf32>
    %dot_general3A_40 = tpu.matmul %convert_element_type3A_38, %convert_element_type3A_17, %dot_general3A_39 {dimension_numbers = #tpu.dot_dimension_numbers<[1], [0], [0], [1], [0, 0, 1, 1], [], []>, transpose_lhs_hint = false} : vector<1024x512xbf16>, vector<512x512xbf16>, vector<1024x512xf32> -> vector<1024x512xf32>
    %dot_general3A_41 = arith.constant dense<0.000000e+00> : vector<1024x512xf32>
    %dot_general3A_42 = tpu.matmul %convert_element_type3A_38, %convert_element_type3A_18, %dot_general3A_41 {dimension_numbers = #tpu.dot_dimension_numbers<[1], [0], [0], [1], [0, 0, 1, 1], [], []>, transpose_lhs_hint = false} : vector<1024x512xbf16>, vector<512x512xbf16>, vector<1024x512xf32> -> vector<1024x512xf32>
    %add3A = arith.addf %dot_general3A_40, %dot_general3A_42 : vector<1024x512xf32>
    %dot_general3A_43 = arith.constant dense<0.000000e+00> : vector<1024x512xf32>
    %dot_general3A_44 = tpu.matmul %convert_element_type3A_38, %convert_element_type3A_16, %dot_general3A_43 {dimension_numbers = #tpu.dot_dimension_numbers<[1], [0], [0], [1], [0, 0, 1, 1], [], []>, transpose_lhs_hint = false} : vector<1024x512xbf16>, vector<512x512xbf16>, vector<1024x512xf32> -> vector<1024x512xf32>
    %add3A_45 = arith.addf %add3A, %dot_general3A_44 : vector<1024x512xf32>
    %mul3A_46 = vector.broadcast %div3A_37 : vector<1024x1xf32> to vector<1024x512xf32>
    %mul3A_47 = arith.mulf %mul3A_46, %add3A_45 : vector<1024x512xf32>
    %sub3A_48 = arith.subf %dot_general3A_10, %mul3A_47 : vector<1024x512xf32>
    %jit3A_49 = arith.constant 0.000000e+00 : f32
    %broadcast_in_dim3A_50 = vector.broadcast %jit3A_49 : f32 to vector<1024x512xf32>
    %select_n3A_51 = arith.select %and3A, %sub3A_48, %broadcast_in_dim3A_50 : vector<1024x512xi1>, vector<1024x512xf32>
    %abs3A_52 = math.absf %select_n3A_51 : vector<1024x512xf32>
    %reduce_max3A_53 = arith.constant dense<0xFF800000> : vector<1024xf32>
    %reduce_max3A_54 = vector.multi_reduction <maximumf>, %abs3A_52, %reduce_max3A_53 [1] : vector<1024x512xf32> to vector<1024xf32>
    %broadcast_in_dim3A_55 = vector.shape_cast %reduce_max3A_54 : vector<1024xf32> to vector<1024x1xf32>
    %ge3A_56 = vector.broadcast %broadcast_in_dim3A_55 : vector<1024x1xf32> to vector<1024x512xf32>
    %ge3A_57 = arith.cmpf oge, %abs3A_52, %ge3A_56 : vector<1024x512xf32>
    %jit3A_58 = arith.constant 512 : i32
    %broadcast_in_dim3A_59 = vector.broadcast %jit3A_58 : i32 to vector<1024x512xi32>
    %select_n3A_60 = arith.select %ge3A_57, %iota3A, %broadcast_in_dim3A_59 : vector<1024x512xi1>, vector<1024x512xi32>
    %reduce_min3A_61 = arith.constant dense<2147483647> : vector<1024xi32>
    %reduce_min3A_62 = vector.multi_reduction <minsi>, %select_n3A_60, %reduce_min3A_61 [1] : vector<1024x512xi32> to vector<1024xi32>
    %broadcast_in_dim3A_63 = vector.shape_cast %reduce_min3A_62 : vector<1024xi32> to vector<1024x1xi32>
    %ne3A_64 = vector.broadcast %broadcast_in_dim3A_63 : vector<1024x1xi32> to vector<1024x512xi32>
    %ne3A_65 = arith.cmpi ne, %iota3A, %ne3A_64 : vector<1024x512xi32>
    %and3A_66 = arith.andi %and3A, %ne3A_65 : vector<1024x512xi1>
    %eq3A_67 = vector.broadcast %broadcast_in_dim3A_63 : vector<1024x1xi32> to vector<1024x512xi32>
    %eq3A_68 = arith.cmpi eq, %iota3A, %eq3A_67 : vector<1024x512xi32>
    %convert_element_type3A_69 = arith.extui %eq3A_68 : vector<1024x512xi1> to vector<1024x512xi32>
    %convert_element_type3A_70 = arith.sitofp %convert_element_type3A_69 : vector<1024x512xi32> to vector<1024x512xf32>
    %mul3A_71 = arith.mulf %convert_element_type3A_70, %dot_general3A_10 : vector<1024x512xf32>
    %reduce_sum3A_72 = arith.constant dense<0.000000e+00> : vector<1024xf32>
    %reduce_sum3A_73 = vector.multi_reduction <add>, %mul3A_71, %reduce_sum3A_72 [1] : vector<1024x512xf32> to vector<1024xf32>
    %broadcast_in_dim3A_74 = vector.shape_cast %reduce_sum3A_73 : vector<1024xf32> to vector<1024x1xf32>
    %mul3A_75 = arith.mulf %convert_element_type3A_70, %add3A_45 : vector<1024x512xf32>
    %reduce_sum3A_76 = arith.constant dense<0.000000e+00> : vector<1024xf32>
    %reduce_sum3A_77 = vector.multi_reduction <add>, %mul3A_75, %reduce_sum3A_76 [1] : vector<1024x512xf32> to vector<1024xf32>
    %broadcast_in_dim3A_78 = vector.shape_cast %reduce_sum3A_77 : vector<1024xf32> to vector<1024x1xf32>
    %div3A_79 = arith.divf %broadcast_in_dim3A_78, %broadcast_in_dim3A_21 : vector<1024x1xf32>
    %mul3A_80 = arith.mulf %div3A_79, %div3A_79 : vector<1024x1xf32>
    %add3A_81 = arith.constant 0.000000e+00 : f32
    %add3A_82 = vector.broadcast %add3A_81 : f32 to vector<1024x1xf32>
    %add3A_83 = arith.addf %add3A_82, %mul3A_80 : vector<1024x1xf32>
    %sub3A_84 = arith.constant 1.000000e+00 : f32
    %sub3A_85 = vector.broadcast %sub3A_84 : f32 to vector<1024x1xf32>
    %sub3A_86 = arith.subf %sub3A_85, %add3A_83 : vector<1024x1xf32>
    %sqrt3A = math.sqrt %sub3A_86 : vector<1024x1xf32>
    %div3A_87 = arith.divf %broadcast_in_dim3A_36, %broadcast_in_dim3A_21 : vector<1024x1xf32>
    %mul3A_88 = arith.mulf %div3A_79, %div3A_87 : vector<1024x1xf32>
    %sub3A_89 = arith.subf %broadcast_in_dim3A_74, %mul3A_88 : vector<1024x1xf32>
    %div3A_90 = arith.divf %sub3A_89, %sqrt3A : vector<1024x1xf32>
    %div3A_91 = arith.divf %div3A_90, %sqrt3A : vector<1024x1xf32>
    %mul3A_92 = arith.mulf %div3A_79, %div3A_91 : vector<1024x1xf32>
    %sub3A_93 = arith.subf %div3A_87, %mul3A_92 : vector<1024x1xf32>
    %div3A_94 = arith.divf %sub3A_93, %broadcast_in_dim3A_21 : vector<1024x1xf32>
    %convert_element_type3A_95 = arith.truncf %convert_element_type3A_70 : vector<1024x512xf32> to vector<1024x512xbf16>
    %dot_general3A_96 = arith.constant dense<0.000000e+00> : vector<1024x512xf32>
    %dot_general3A_97 = tpu.matmul %convert_element_type3A_95, %convert_element_type3A_17, %dot_general3A_96 {dimension_numbers = #tpu.dot_dimension_numbers<[1], [0], [0], [1], [0, 0, 1, 1], [], []>, transpose_lhs_hint = false} : vector<1024x512xbf16>, vector<512x512xbf16>, vector<1024x512xf32> -> vector<1024x512xf32>
    %dot_general3A_98 = arith.constant dense<0.000000e+00> : vector<1024x512xf32>
    %dot_general3A_99 = tpu.matmul %convert_element_type3A_95, %convert_element_type3A_18, %dot_general3A_98 {dimension_numbers = #tpu.dot_dimension_numbers<[1], [0], [0], [1], [0, 0, 1, 1], [], []>, transpose_lhs_hint = false} : vector<1024x512xbf16>, vector<512x512xbf16>, vector<1024x512xf32> -> vector<1024x512xf32>
    %add3A_100 = arith.addf %dot_general3A_97, %dot_general3A_99 : vector<1024x512xf32>
    %dot_general3A_101 = arith.constant dense<0.000000e+00> : vector<1024x512xf32>
    %dot_general3A_102 = tpu.matmul %convert_element_type3A_95, %convert_element_type3A_16, %dot_general3A_101 {dimension_numbers = #tpu.dot_dimension_numbers<[1], [0], [0], [1], [0, 0, 1, 1], [], []>, transpose_lhs_hint = false} : vector<1024x512xbf16>, vector<512x512xbf16>, vector<1024x512xf32> -> vector<1024x512xf32>
    %add3A_103 = arith.addf %add3A_100, %dot_general3A_102 : vector<1024x512xf32>
    %mul3A_104 = vector.broadcast %div3A_94 : vector<1024x1xf32> to vector<1024x512xf32>
    %mul3A_105 = arith.mulf %mul3A_104, %add3A_45 : vector<1024x512xf32>
    %mul3A_106 = vector.broadcast %div3A_91 : vector<1024x1xf32> to vector<1024x512xf32>
    %mul3A_107 = arith.mulf %mul3A_106, %add3A_103 : vector<1024x512xf32>
    %add3A_108 = arith.addf %mul3A_105, %mul3A_107 : vector<1024x512xf32>
    %sub3A_109 = arith.subf %dot_general3A_10, %add3A_108 : vector<1024x512xf32>
    %jit3A_110 = arith.constant 0.000000e+00 : f32
    %broadcast_in_dim3A_111 = vector.broadcast %jit3A_110 : f32 to vector<1024x512xf32>
    %select_n3A_112 = arith.select %and3A_66, %sub3A_109, %broadcast_in_dim3A_111 : vector<1024x512xi1>, vector<1024x512xf32>
    %abs3A_113 = math.absf %select_n3A_112 : vector<1024x512xf32>
    %reduce_max3A_114 = arith.constant dense<0xFF800000> : vector<1024xf32>
    %reduce_max3A_115 = vector.multi_reduction <maximumf>, %abs3A_113, %reduce_max3A_114 [1] : vector<1024x512xf32> to vector<1024xf32>
    %broadcast_in_dim3A_116 = vector.shape_cast %reduce_max3A_115 : vector<1024xf32> to vector<1024x1xf32>
    %ge3A_117 = vector.broadcast %broadcast_in_dim3A_116 : vector<1024x1xf32> to vector<1024x512xf32>
    %ge3A_118 = arith.cmpf oge, %abs3A_113, %ge3A_117 : vector<1024x512xf32>
    %jit3A_119 = arith.constant 512 : i32
    %broadcast_in_dim3A_120 = vector.broadcast %jit3A_119 : i32 to vector<1024x512xi32>
    %select_n3A_121 = arith.select %ge3A_118, %iota3A, %broadcast_in_dim3A_120 : vector<1024x512xi1>, vector<1024x512xi32>
    %reduce_min3A_122 = arith.constant dense<2147483647> : vector<1024xi32>
    %reduce_min3A_123 = vector.multi_reduction <minsi>, %select_n3A_121, %reduce_min3A_122 [1] : vector<1024x512xi32> to vector<1024xi32>
    %broadcast_in_dim3A_124 = vector.shape_cast %reduce_min3A_123 : vector<1024xi32> to vector<1024x1xi32>
    %ne3A_125 = vector.broadcast %broadcast_in_dim3A_124 : vector<1024x1xi32> to vector<1024x512xi32>
    %ne3A_126 = arith.cmpi ne, %iota3A, %ne3A_125 : vector<1024x512xi32>
    %and3A_127 = arith.andi %and3A_66, %ne3A_126 : vector<1024x512xi1>
    %eq3A_128 = vector.broadcast %broadcast_in_dim3A_124 : vector<1024x1xi32> to vector<1024x512xi32>
    %eq3A_129 = arith.cmpi eq, %iota3A, %eq3A_128 : vector<1024x512xi32>
    %convert_element_type3A_130 = arith.extui %eq3A_129 : vector<1024x512xi1> to vector<1024x512xi32>
    %convert_element_type3A_131 = arith.sitofp %convert_element_type3A_130 : vector<1024x512xi32> to vector<1024x512xf32>
    %mul3A_132 = arith.mulf %convert_element_type3A_131, %dot_general3A_10 : vector<1024x512xf32>
    %reduce_sum3A_133 = arith.constant dense<0.000000e+00> : vector<1024xf32>
    %reduce_sum3A_134 = vector.multi_reduction <add>, %mul3A_132, %reduce_sum3A_133 [1] : vector<1024x512xf32> to vector<1024xf32>
    %broadcast_in_dim3A_135 = vector.shape_cast %reduce_sum3A_134 : vector<1024xf32> to vector<1024x1xf32>
    %mul3A_136 = arith.mulf %convert_element_type3A_131, %add3A_45 : vector<1024x512xf32>
    %reduce_sum3A_137 = arith.constant dense<0.000000e+00> : vector<1024xf32>
    %reduce_sum3A_138 = vector.multi_reduction <add>, %mul3A_136, %reduce_sum3A_137 [1] : vector<1024x512xf32> to vector<1024xf32>
    %broadcast_in_dim3A_139 = vector.shape_cast %reduce_sum3A_138 : vector<1024xf32> to vector<1024x1xf32>
    %mul3A_140 = arith.mulf %convert_element_type3A_131, %add3A_103 : vector<1024x512xf32>
    %reduce_sum3A_141 = arith.constant dense<0.000000e+00> : vector<1024xf32>
    %reduce_sum3A_142 = vector.multi_reduction <add>, %mul3A_140, %reduce_sum3A_141 [1] : vector<1024x512xf32> to vector<1024xf32>
    %broadcast_in_dim3A_143 = vector.shape_cast %reduce_sum3A_142 : vector<1024xf32> to vector<1024x1xf32>
    %div3A_144 = arith.divf %broadcast_in_dim3A_139, %broadcast_in_dim3A_21 : vector<1024x1xf32>
    %mul3A_145 = arith.mulf %div3A_79, %div3A_144 : vector<1024x1xf32>
    %sub3A_146 = arith.subf %broadcast_in_dim3A_143, %mul3A_145 : vector<1024x1xf32>
    %div3A_147 = arith.divf %sub3A_146, %sqrt3A : vector<1024x1xf32>
    %mul3A_148 = arith.mulf %div3A_144, %div3A_144 : vector<1024x1xf32>
    %add3A_149 = arith.constant 0.000000e+00 : f32
    %add3A_150 = vector.broadcast %add3A_149 : f32 to vector<1024x1xf32>
    %add3A_151 = arith.addf %add3A_150, %mul3A_148 : vector<1024x1xf32>
    %mul3A_152 = arith.mulf %div3A_147, %div3A_147 : vector<1024x1xf32>
    %add3A_153 = arith.addf %add3A_151, %mul3A_152 : vector<1024x1xf32>
    %sub3A_154 = arith.constant 1.000000e+00 : f32
    %sub3A_155 = vector.broadcast %sub3A_154 : f32 to vector<1024x1xf32>
    %sub3A_156 = arith.subf %sub3A_155, %add3A_153 : vector<1024x1xf32>
    %sqrt3A_157 = math.sqrt %sub3A_156 : vector<1024x1xf32>
    %div3A_158 = arith.divf %broadcast_in_dim3A_36, %broadcast_in_dim3A_21 : vector<1024x1xf32>
    %mul3A_159 = arith.mulf %div3A_79, %div3A_158 : vector<1024x1xf32>
    %sub3A_160 = arith.subf %broadcast_in_dim3A_74, %mul3A_159 : vector<1024x1xf32>
    %div3A_161 = arith.divf %sub3A_160, %sqrt3A : vector<1024x1xf32>
    %mul3A_162 = arith.mulf %div3A_144, %div3A_158 : vector<1024x1xf32>
    %sub3A_163 = arith.subf %broadcast_in_dim3A_135, %mul3A_162 : vector<1024x1xf32>
    %mul3A_164 = arith.mulf %div3A_147, %div3A_161 : vector<1024x1xf32>
    %sub3A_165 = arith.subf %sub3A_163, %mul3A_164 : vector<1024x1xf32>
    %div3A_166 = arith.divf %sub3A_165, %sqrt3A_157 : vector<1024x1xf32>
    %div3A_167 = arith.divf %div3A_166, %sqrt3A_157 : vector<1024x1xf32>
    %mul3A_168 = arith.mulf %div3A_147, %div3A_167 : vector<1024x1xf32>
    %sub3A_169 = arith.subf %div3A_161, %mul3A_168 : vector<1024x1xf32>
    %div3A_170 = arith.divf %sub3A_169, %sqrt3A : vector<1024x1xf32>
    %mul3A_171 = arith.mulf %div3A_79, %div3A_170 : vector<1024x1xf32>
    %sub3A_172 = arith.subf %div3A_158, %mul3A_171 : vector<1024x1xf32>
    %mul3A_173 = arith.mulf %div3A_144, %div3A_167 : vector<1024x1xf32>
    %sub3A_174 = arith.subf %sub3A_172, %mul3A_173 : vector<1024x1xf32>
    %div3A_175 = arith.divf %sub3A_174, %broadcast_in_dim3A_21 : vector<1024x1xf32>
    %convert_element_type3A_176 = arith.truncf %convert_element_type3A_131 : vector<1024x512xf32> to vector<1024x512xbf16>
    %dot_general3A_177 = arith.constant dense<0.000000e+00> : vector<1024x512xf32>
    %dot_general3A_178 = tpu.matmul %convert_element_type3A_176, %convert_element_type3A_17, %dot_general3A_177 {dimension_numbers = #tpu.dot_dimension_numbers<[1], [0], [0], [1], [0, 0, 1, 1], [], []>, transpose_lhs_hint = false} : vector<1024x512xbf16>, vector<512x512xbf16>, vector<1024x512xf32> -> vector<1024x512xf32>
    %dot_general3A_179 = arith.constant dense<0.000000e+00> : vector<1024x512xf32>
    %dot_general3A_180 = tpu.matmul %convert_element_type3A_176, %convert_element_type3A_18, %dot_general3A_179 {dimension_numbers = #tpu.dot_dimension_numbers<[1], [0], [0], [1], [0, 0, 1, 1], [], []>, transpose_lhs_hint = false} : vector<1024x512xbf16>, vector<512x512xbf16>, vector<1024x512xf32> -> vector<1024x512xf32>
    %add3A_181 = arith.addf %dot_general3A_178, %dot_general3A_180 : vector<1024x512xf32>
    %dot_general3A_182 = arith.constant dense<0.000000e+00> : vector<1024x512xf32>
    %dot_general3A_183 = tpu.matmul %convert_element_type3A_176, %convert_element_type3A_16, %dot_general3A_182 {dimension_numbers = #tpu.dot_dimension_numbers<[1], [0], [0], [1], [0, 0, 1, 1], [], []>, transpose_lhs_hint = false} : vector<1024x512xbf16>, vector<512x512xbf16>, vector<1024x512xf32> -> vector<1024x512xf32>
    %add3A_184 = arith.addf %add3A_181, %dot_general3A_183 : vector<1024x512xf32>
    %mul3A_185 = vector.broadcast %div3A_175 : vector<1024x1xf32> to vector<1024x512xf32>
    %mul3A_186 = arith.mulf %mul3A_185, %add3A_45 : vector<1024x512xf32>
    %mul3A_187 = vector.broadcast %div3A_170 : vector<1024x1xf32> to vector<1024x512xf32>
    %mul3A_188 = arith.mulf %mul3A_187, %add3A_103 : vector<1024x512xf32>
    %add3A_189 = arith.addf %mul3A_186, %mul3A_188 : vector<1024x512xf32>
    %mul3A_190 = vector.broadcast %div3A_167 : vector<1024x1xf32> to vector<1024x512xf32>
    %mul3A_191 = arith.mulf %mul3A_190, %add3A_184 : vector<1024x512xf32>
    %add3A_192 = arith.addf %add3A_189, %mul3A_191 : vector<1024x512xf32>
    %sub3A_193 = arith.subf %dot_general3A_10, %add3A_192 : vector<1024x512xf32>
    %jit3A_194 = arith.constant 0.000000e+00 : f32
    %broadcast_in_dim3A_195 = vector.broadcast %jit3A_194 : f32 to vector<1024x512xf32>
    %select_n3A_196 = arith.select %and3A_127, %sub3A_193, %broadcast_in_dim3A_195 : vector<1024x512xi1>, vector<1024x512xf32>
    %abs3A_197 = math.absf %select_n3A_196 : vector<1024x512xf32>
    %reduce_max3A_198 = arith.constant dense<0xFF800000> : vector<1024xf32>
    %reduce_max3A_199 = vector.multi_reduction <maximumf>, %abs3A_197, %reduce_max3A_198 [1] : vector<1024x512xf32> to vector<1024xf32>
    %broadcast_in_dim3A_200 = vector.shape_cast %reduce_max3A_199 : vector<1024xf32> to vector<1024x1xf32>
    %ge3A_201 = vector.broadcast %broadcast_in_dim3A_200 : vector<1024x1xf32> to vector<1024x512xf32>
    %ge3A_202 = arith.cmpf oge, %abs3A_197, %ge3A_201 : vector<1024x512xf32>
    %jit3A_203 = arith.constant 512 : i32
    %broadcast_in_dim3A_204 = vector.broadcast %jit3A_203 : i32 to vector<1024x512xi32>
    %select_n3A_205 = arith.select %ge3A_202, %iota3A, %broadcast_in_dim3A_204 : vector<1024x512xi1>, vector<1024x512xi32>
    %reduce_min3A_206 = arith.constant dense<2147483647> : vector<1024xi32>
    %reduce_min3A_207 = vector.multi_reduction <minsi>, %select_n3A_205, %reduce_min3A_206 [1] : vector<1024x512xi32> to vector<1024xi32>
    %broadcast_in_dim3A_208 = vector.shape_cast %reduce_min3A_207 : vector<1024xi32> to vector<1024x1xi32>
    %ne3A_209 = vector.broadcast %broadcast_in_dim3A_208 : vector<1024x1xi32> to vector<1024x512xi32>
    %ne3A_210 = arith.cmpi ne, %iota3A, %ne3A_209 : vector<1024x512xi32>
    %and3A_211 = arith.andi %and3A_127, %ne3A_210 : vector<1024x512xi1>
    %eq3A_212 = vector.broadcast %broadcast_in_dim3A_208 : vector<1024x1xi32> to vector<1024x512xi32>
    %eq3A_213 = arith.cmpi eq, %iota3A, %eq3A_212 : vector<1024x512xi32>
    %convert_element_type3A_214 = arith.extui %eq3A_213 : vector<1024x512xi1> to vector<1024x512xi32>
    %convert_element_type3A_215 = arith.sitofp %convert_element_type3A_214 : vector<1024x512xi32> to vector<1024x512xf32>
    %mul3A_216 = arith.mulf %convert_element_type3A_215, %dot_general3A_10 : vector<1024x512xf32>
    %reduce_sum3A_217 = arith.constant dense<0.000000e+00> : vector<1024xf32>
    %reduce_sum3A_218 = vector.multi_reduction <add>, %mul3A_216, %reduce_sum3A_217 [1] : vector<1024x512xf32> to vector<1024xf32>
    %broadcast_in_dim3A_219 = vector.shape_cast %reduce_sum3A_218 : vector<1024xf32> to vector<1024x1xf32>
    %mul3A_220 = arith.mulf %convert_element_type3A_215, %add3A_45 : vector<1024x512xf32>
    %reduce_sum3A_221 = arith.constant dense<0.000000e+00> : vector<1024xf32>
    %reduce_sum3A_222 = vector.multi_reduction <add>, %mul3A_220, %reduce_sum3A_221 [1] : vector<1024x512xf32> to vector<1024xf32>
    %broadcast_in_dim3A_223 = vector.shape_cast %reduce_sum3A_222 : vector<1024xf32> to vector<1024x1xf32>
    %mul3A_224 = arith.mulf %convert_element_type3A_215, %add3A_103 : vector<1024x512xf32>
    %reduce_sum3A_225 = arith.constant dense<0.000000e+00> : vector<1024xf32>
    %reduce_sum3A_226 = vector.multi_reduction <add>, %mul3A_224, %reduce_sum3A_225 [1] : vector<1024x512xf32> to vector<1024xf32>
    %broadcast_in_dim3A_227 = vector.shape_cast %reduce_sum3A_226 : vector<1024xf32> to vector<1024x1xf32>
    %mul3A_228 = arith.mulf %convert_element_type3A_215, %add3A_184 : vector<1024x512xf32>
    %reduce_sum3A_229 = arith.constant dense<0.000000e+00> : vector<1024xf32>
    %reduce_sum3A_230 = vector.multi_reduction <add>, %mul3A_228, %reduce_sum3A_229 [1] : vector<1024x512xf32> to vector<1024xf32>
    %broadcast_in_dim3A_231 = vector.shape_cast %reduce_sum3A_230 : vector<1024xf32> to vector<1024x1xf32>
    %div3A_232 = arith.divf %broadcast_in_dim3A_223, %broadcast_in_dim3A_21 : vector<1024x1xf32>
    %mul3A_233 = arith.mulf %div3A_79, %div3A_232 : vector<1024x1xf32>
    %sub3A_234 = arith.subf %broadcast_in_dim3A_227, %mul3A_233 : vector<1024x1xf32>
    %div3A_235 = arith.divf %sub3A_234, %sqrt3A : vector<1024x1xf32>
    %mul3A_236 = arith.mulf %div3A_144, %div3A_232 : vector<1024x1xf32>
    %sub3A_237 = arith.subf %broadcast_in_dim3A_231, %mul3A_236 : vector<1024x1xf32>
    %mul3A_238 = arith.mulf %div3A_147, %div3A_235 : vector<1024x1xf32>
    %sub3A_239 = arith.subf %sub3A_237, %mul3A_238 : vector<1024x1xf32>
    %div3A_240 = arith.divf %sub3A_239, %sqrt3A_157 : vector<1024x1xf32>
    %mul3A_241 = arith.mulf %div3A_232, %div3A_232 : vector<1024x1xf32>
    %add3A_242 = arith.constant 0.000000e+00 : f32
    %add3A_243 = vector.broadcast %add3A_242 : f32 to vector<1024x1xf32>
    %add3A_244 = arith.addf %add3A_243, %mul3A_241 : vector<1024x1xf32>
    %mul3A_245 = arith.mulf %div3A_235, %div3A_235 : vector<1024x1xf32>
    %add3A_246 = arith.addf %add3A_244, %mul3A_245 : vector<1024x1xf32>
    %mul3A_247 = arith.mulf %div3A_240, %div3A_240 : vector<1024x1xf32>
    %add3A_248 = arith.addf %add3A_246, %mul3A_247 : vector<1024x1xf32>
    %sub3A_249 = arith.constant 1.000000e+00 : f32
    %sub3A_250 = vector.broadcast %sub3A_249 : f32 to vector<1024x1xf32>
    %sub3A_251 = arith.subf %sub3A_250, %add3A_248 : vector<1024x1xf32>
    %sqrt3A_252 = math.sqrt %sub3A_251 : vector<1024x1xf32>
    %div3A_253 = arith.divf %broadcast_in_dim3A_36, %broadcast_in_dim3A_21 : vector<1024x1xf32>
    %mul3A_254 = arith.mulf %div3A_79, %div3A_253 : vector<1024x1xf32>
    %sub3A_255 = arith.subf %broadcast_in_dim3A_74, %mul3A_254 : vector<1024x1xf32>
    %div3A_256 = arith.divf %sub3A_255, %sqrt3A : vector<1024x1xf32>
    %mul3A_257 = arith.mulf %div3A_144, %div3A_253 : vector<1024x1xf32>
    %sub3A_258 = arith.subf %broadcast_in_dim3A_135, %mul3A_257 : vector<1024x1xf32>
    %mul3A_259 = arith.mulf %div3A_147, %div3A_256 : vector<1024x1xf32>
    %sub3A_260 = arith.subf %sub3A_258, %mul3A_259 : vector<1024x1xf32>
    %div3A_261 = arith.divf %sub3A_260, %sqrt3A_157 : vector<1024x1xf32>
    %mul3A_262 = arith.mulf %div3A_232, %div3A_253 : vector<1024x1xf32>
    %sub3A_263 = arith.subf %broadcast_in_dim3A_219, %mul3A_262 : vector<1024x1xf32>
    %mul3A_264 = arith.mulf %div3A_235, %div3A_256 : vector<1024x1xf32>
    %sub3A_265 = arith.subf %sub3A_263, %mul3A_264 : vector<1024x1xf32>
    %mul3A_266 = arith.mulf %div3A_240, %div3A_261 : vector<1024x1xf32>
    %sub3A_267 = arith.subf %sub3A_265, %mul3A_266 : vector<1024x1xf32>
    %div3A_268 = arith.divf %sub3A_267, %sqrt3A_252 : vector<1024x1xf32>
    %div3A_269 = arith.divf %div3A_268, %sqrt3A_252 : vector<1024x1xf32>
    %mul3A_270 = arith.mulf %div3A_240, %div3A_269 : vector<1024x1xf32>
    %sub3A_271 = arith.subf %div3A_261, %mul3A_270 : vector<1024x1xf32>
    %div3A_272 = arith.divf %sub3A_271, %sqrt3A_157 : vector<1024x1xf32>
    %mul3A_273 = arith.mulf %div3A_147, %div3A_272 : vector<1024x1xf32>
    %sub3A_274 = arith.subf %div3A_256, %mul3A_273 : vector<1024x1xf32>
    %mul3A_275 = arith.mulf %div3A_235, %div3A_269 : vector<1024x1xf32>
    %sub3A_276 = arith.subf %sub3A_274, %mul3A_275 : vector<1024x1xf32>
    %div3A_277 = arith.divf %sub3A_276, %sqrt3A : vector<1024x1xf32>
    %mul3A_278 = arith.mulf %div3A_79, %div3A_277 : vector<1024x1xf32>
    %sub3A_279 = arith.subf %div3A_253, %mul3A_278 : vector<1024x1xf32>
    %mul3A_280 = arith.mulf %div3A_144, %div3A_272 : vector<1024x1xf32>
    %sub3A_281 = arith.subf %sub3A_279, %mul3A_280 : vector<1024x1xf32>
    %mul3A_282 = arith.mulf %div3A_232, %div3A_269 : vector<1024x1xf32>
    %sub3A_283 = arith.subf %sub3A_281, %mul3A_282 : vector<1024x1xf32>
    %div3A_284 = arith.divf %sub3A_283, %broadcast_in_dim3A_21 : vector<1024x1xf32>
    %convert_element_type3A_285 = arith.truncf %convert_element_type3A_215 : vector<1024x512xf32> to vector<1024x512xbf16>
    %dot_general3A_286 = arith.constant dense<0.000000e+00> : vector<1024x512xf32>
    %dot_general3A_287 = tpu.matmul %convert_element_type3A_285, %convert_element_type3A_17, %dot_general3A_286 {dimension_numbers = #tpu.dot_dimension_numbers<[1], [0], [0], [1], [0, 0, 1, 1], [], []>, transpose_lhs_hint = false} : vector<1024x512xbf16>, vector<512x512xbf16>, vector<1024x512xf32> -> vector<1024x512xf32>
    %dot_general3A_288 = arith.constant dense<0.000000e+00> : vector<1024x512xf32>
    %dot_general3A_289 = tpu.matmul %convert_element_type3A_285, %convert_element_type3A_18, %dot_general3A_288 {dimension_numbers = #tpu.dot_dimension_numbers<[1], [0], [0], [1], [0, 0, 1, 1], [], []>, transpose_lhs_hint = false} : vector<1024x512xbf16>, vector<512x512xbf16>, vector<1024x512xf32> -> vector<1024x512xf32>
    %add3A_290 = arith.addf %dot_general3A_287, %dot_general3A_289 : vector<1024x512xf32>
    %dot_general3A_291 = arith.constant dense<0.000000e+00> : vector<1024x512xf32>
    %dot_general3A_292 = tpu.matmul %convert_element_type3A_285, %convert_element_type3A_16, %dot_general3A_291 {dimension_numbers = #tpu.dot_dimension_numbers<[1], [0], [0], [1], [0, 0, 1, 1], [], []>, transpose_lhs_hint = false} : vector<1024x512xbf16>, vector<512x512xbf16>, vector<1024x512xf32> -> vector<1024x512xf32>
    %add3A_293 = arith.addf %add3A_290, %dot_general3A_292 : vector<1024x512xf32>
    %mul3A_294 = vector.broadcast %div3A_284 : vector<1024x1xf32> to vector<1024x512xf32>
    %mul3A_295 = arith.mulf %mul3A_294, %add3A_45 : vector<1024x512xf32>
    %mul3A_296 = vector.broadcast %div3A_277 : vector<1024x1xf32> to vector<1024x512xf32>
    %mul3A_297 = arith.mulf %mul3A_296, %add3A_103 : vector<1024x512xf32>
    %add3A_298 = arith.addf %mul3A_295, %mul3A_297 : vector<1024x512xf32>
    %mul3A_299 = vector.broadcast %div3A_272 : vector<1024x1xf32> to vector<1024x512xf32>
    %mul3A_300 = arith.mulf %mul3A_299, %add3A_184 : vector<1024x512xf32>
    %add3A_301 = arith.addf %add3A_298, %mul3A_300 : vector<1024x512xf32>
    %mul3A_302 = vector.broadcast %div3A_269 : vector<1024x1xf32> to vector<1024x512xf32>
    %mul3A_303 = arith.mulf %mul3A_302, %add3A_293 : vector<1024x512xf32>
    %add3A_304 = arith.addf %add3A_301, %mul3A_303 : vector<1024x512xf32>
    %sub3A_305 = arith.subf %dot_general3A_10, %add3A_304 : vector<1024x512xf32>
    %jit3A_306 = arith.constant 0.000000e+00 : f32
    %broadcast_in_dim3A_307 = vector.broadcast %jit3A_306 : f32 to vector<1024x512xf32>
    %select_n3A_308 = arith.select %and3A_211, %sub3A_305, %broadcast_in_dim3A_307 : vector<1024x512xi1>, vector<1024x512xf32>
    %abs3A_309 = math.absf %select_n3A_308 : vector<1024x512xf32>
    %reduce_max3A_310 = arith.constant dense<0xFF800000> : vector<1024xf32>
    %reduce_max3A_311 = vector.multi_reduction <maximumf>, %abs3A_309, %reduce_max3A_310 [1] : vector<1024x512xf32> to vector<1024xf32>
    %broadcast_in_dim3A_312 = vector.shape_cast %reduce_max3A_311 : vector<1024xf32> to vector<1024x1xf32>
    %ge3A_313 = vector.broadcast %broadcast_in_dim3A_312 : vector<1024x1xf32> to vector<1024x512xf32>
    %ge3A_314 = arith.cmpf oge, %abs3A_309, %ge3A_313 : vector<1024x512xf32>
    %jit3A_315 = arith.constant 512 : i32
    %broadcast_in_dim3A_316 = vector.broadcast %jit3A_315 : i32 to vector<1024x512xi32>
    %select_n3A_317 = arith.select %ge3A_314, %iota3A, %broadcast_in_dim3A_316 : vector<1024x512xi1>, vector<1024x512xi32>
    %reduce_min3A_318 = arith.constant dense<2147483647> : vector<1024xi32>
    %reduce_min3A_319 = vector.multi_reduction <minsi>, %select_n3A_317, %reduce_min3A_318 [1] : vector<1024x512xi32> to vector<1024xi32>
    %broadcast_in_dim3A_320 = vector.shape_cast %reduce_min3A_319 : vector<1024xi32> to vector<1024x1xi32>
    %eq3A_321 = vector.broadcast %broadcast_in_dim3A_320 : vector<1024x1xi32> to vector<1024x512xi32>
    %eq3A_322 = arith.cmpi eq, %iota3A, %eq3A_321 : vector<1024x512xi32>
    %convert_element_type3A_323 = arith.extui %eq3A_322 : vector<1024x512xi1> to vector<1024x512xi32>
    %convert_element_type3A_324 = arith.sitofp %convert_element_type3A_323 : vector<1024x512xi32> to vector<1024x512xf32>
    %mul3A_325 = arith.mulf %convert_element_type3A_324, %dot_general3A_10 : vector<1024x512xf32>
    %reduce_sum3A_326 = arith.constant dense<0.000000e+00> : vector<1024xf32>
    %reduce_sum3A_327 = vector.multi_reduction <add>, %mul3A_325, %reduce_sum3A_326 [1] : vector<1024x512xf32> to vector<1024xf32>
    %broadcast_in_dim3A_328 = vector.shape_cast %reduce_sum3A_327 : vector<1024xf32> to vector<1024x1xf32>
    %mul3A_329 = arith.mulf %convert_element_type3A_324, %add3A_45 : vector<1024x512xf32>
    %reduce_sum3A_330 = arith.constant dense<0.000000e+00> : vector<1024xf32>
    %reduce_sum3A_331 = vector.multi_reduction <add>, %mul3A_329, %reduce_sum3A_330 [1] : vector<1024x512xf32> to vector<1024xf32>
    %broadcast_in_dim3A_332 = vector.shape_cast %reduce_sum3A_331 : vector<1024xf32> to vector<1024x1xf32>
    %mul3A_333 = arith.mulf %convert_element_type3A_324, %add3A_103 : vector<1024x512xf32>
    %reduce_sum3A_334 = arith.constant dense<0.000000e+00> : vector<1024xf32>
    %reduce_sum3A_335 = vector.multi_reduction <add>, %mul3A_333, %reduce_sum3A_334 [1] : vector<1024x512xf32> to vector<1024xf32>
    %broadcast_in_dim3A_336 = vector.shape_cast %reduce_sum3A_335 : vector<1024xf32> to vector<1024x1xf32>
    %mul3A_337 = arith.mulf %convert_element_type3A_324, %add3A_184 : vector<1024x512xf32>
    %reduce_sum3A_338 = arith.constant dense<0.000000e+00> : vector<1024xf32>
    %reduce_sum3A_339 = vector.multi_reduction <add>, %mul3A_337, %reduce_sum3A_338 [1] : vector<1024x512xf32> to vector<1024xf32>
    %broadcast_in_dim3A_340 = vector.shape_cast %reduce_sum3A_339 : vector<1024xf32> to vector<1024x1xf32>
    %mul3A_341 = arith.mulf %convert_element_type3A_324, %add3A_293 : vector<1024x512xf32>
    %reduce_sum3A_342 = arith.constant dense<0.000000e+00> : vector<1024xf32>
    %reduce_sum3A_343 = vector.multi_reduction <add>, %mul3A_341, %reduce_sum3A_342 [1] : vector<1024x512xf32> to vector<1024xf32>
    %broadcast_in_dim3A_344 = vector.shape_cast %reduce_sum3A_343 : vector<1024xf32> to vector<1024x1xf32>
    %div3A_345 = arith.divf %broadcast_in_dim3A_332, %broadcast_in_dim3A_21 : vector<1024x1xf32>
    %mul3A_346 = arith.mulf %div3A_79, %div3A_345 : vector<1024x1xf32>
    %sub3A_347 = arith.subf %broadcast_in_dim3A_336, %mul3A_346 : vector<1024x1xf32>
    %div3A_348 = arith.divf %sub3A_347, %sqrt3A : vector<1024x1xf32>
    %mul3A_349 = arith.mulf %div3A_144, %div3A_345 : vector<1024x1xf32>
    %sub3A_350 = arith.subf %broadcast_in_dim3A_340, %mul3A_349 : vector<1024x1xf32>
    %mul3A_351 = arith.mulf %div3A_147, %div3A_348 : vector<1024x1xf32>
    %sub3A_352 = arith.subf %sub3A_350, %mul3A_351 : vector<1024x1xf32>
    %div3A_353 = arith.divf %sub3A_352, %sqrt3A_157 : vector<1024x1xf32>
    %mul3A_354 = arith.mulf %div3A_232, %div3A_345 : vector<1024x1xf32>
    %sub3A_355 = arith.subf %broadcast_in_dim3A_344, %mul3A_354 : vector<1024x1xf32>
    %mul3A_356 = arith.mulf %div3A_235, %div3A_348 : vector<1024x1xf32>
    %sub3A_357 = arith.subf %sub3A_355, %mul3A_356 : vector<1024x1xf32>
    %mul3A_358 = arith.mulf %div3A_240, %div3A_353 : vector<1024x1xf32>
    %sub3A_359 = arith.subf %sub3A_357, %mul3A_358 : vector<1024x1xf32>
    %div3A_360 = arith.divf %sub3A_359, %sqrt3A_252 : vector<1024x1xf32>
    %mul3A_361 = arith.mulf %div3A_345, %div3A_345 : vector<1024x1xf32>
    %add3A_362 = arith.constant 0.000000e+00 : f32
    %add3A_363 = vector.broadcast %add3A_362 : f32 to vector<1024x1xf32>
    %add3A_364 = arith.addf %add3A_363, %mul3A_361 : vector<1024x1xf32>
    %mul3A_365 = arith.mulf %div3A_348, %div3A_348 : vector<1024x1xf32>
    %add3A_366 = arith.addf %add3A_364, %mul3A_365 : vector<1024x1xf32>
    %mul3A_367 = arith.mulf %div3A_353, %div3A_353 : vector<1024x1xf32>
    %add3A_368 = arith.addf %add3A_366, %mul3A_367 : vector<1024x1xf32>
    %mul3A_369 = arith.mulf %div3A_360, %div3A_360 : vector<1024x1xf32>
    %add3A_370 = arith.addf %add3A_368, %mul3A_369 : vector<1024x1xf32>
    %sub3A_371 = arith.constant 1.000000e+00 : f32
    %sub3A_372 = vector.broadcast %sub3A_371 : f32 to vector<1024x1xf32>
    %sub3A_373 = arith.subf %sub3A_372, %add3A_370 : vector<1024x1xf32>
    %sqrt3A_374 = math.sqrt %sub3A_373 : vector<1024x1xf32>
    %div3A_375 = arith.divf %broadcast_in_dim3A_36, %broadcast_in_dim3A_21 : vector<1024x1xf32>
    %mul3A_376 = arith.mulf %div3A_79, %div3A_375 : vector<1024x1xf32>
    %sub3A_377 = arith.subf %broadcast_in_dim3A_74, %mul3A_376 : vector<1024x1xf32>
    %div3A_378 = arith.divf %sub3A_377, %sqrt3A : vector<1024x1xf32>
    %mul3A_379 = arith.mulf %div3A_144, %div3A_375 : vector<1024x1xf32>
    %sub3A_380 = arith.subf %broadcast_in_dim3A_135, %mul3A_379 : vector<1024x1xf32>
    %mul3A_381 = arith.mulf %div3A_147, %div3A_378 : vector<1024x1xf32>
    %sub3A_382 = arith.subf %sub3A_380, %mul3A_381 : vector<1024x1xf32>
    %div3A_383 = arith.divf %sub3A_382, %sqrt3A_157 : vector<1024x1xf32>
    %mul3A_384 = arith.mulf %div3A_232, %div3A_375 : vector<1024x1xf32>
    %sub3A_385 = arith.subf %broadcast_in_dim3A_219, %mul3A_384 : vector<1024x1xf32>
    %mul3A_386 = arith.mulf %div3A_235, %div3A_378 : vector<1024x1xf32>
    %sub3A_387 = arith.subf %sub3A_385, %mul3A_386 : vector<1024x1xf32>
    %mul3A_388 = arith.mulf %div3A_240, %div3A_383 : vector<1024x1xf32>
    %sub3A_389 = arith.subf %sub3A_387, %mul3A_388 : vector<1024x1xf32>
    %div3A_390 = arith.divf %sub3A_389, %sqrt3A_252 : vector<1024x1xf32>
    %mul3A_391 = arith.mulf %div3A_345, %div3A_375 : vector<1024x1xf32>
    %sub3A_392 = arith.subf %broadcast_in_dim3A_328, %mul3A_391 : vector<1024x1xf32>
    %mul3A_393 = arith.mulf %div3A_348, %div3A_378 : vector<1024x1xf32>
    %sub3A_394 = arith.subf %sub3A_392, %mul3A_393 : vector<1024x1xf32>
    %mul3A_395 = arith.mulf %div3A_353, %div3A_383 : vector<1024x1xf32>
    %sub3A_396 = arith.subf %sub3A_394, %mul3A_395 : vector<1024x1xf32>
    %mul3A_397 = arith.mulf %div3A_360, %div3A_390 : vector<1024x1xf32>
    %sub3A_398 = arith.subf %sub3A_396, %mul3A_397 : vector<1024x1xf32>
    %div3A_399 = arith.divf %sub3A_398, %sqrt3A_374 : vector<1024x1xf32>
    %div3A_400 = arith.divf %div3A_399, %sqrt3A_374 : vector<1024x1xf32>
    %mul3A_401 = arith.mulf %div3A_360, %div3A_400 : vector<1024x1xf32>
    %sub3A_402 = arith.subf %div3A_390, %mul3A_401 : vector<1024x1xf32>
    %div3A_403 = arith.divf %sub3A_402, %sqrt3A_252 : vector<1024x1xf32>
    %mul3A_404 = arith.mulf %div3A_240, %div3A_403 : vector<1024x1xf32>
    %sub3A_405 = arith.subf %div3A_383, %mul3A_404 : vector<1024x1xf32>
    %mul3A_406 = arith.mulf %div3A_353, %div3A_400 : vector<1024x1xf32>
    %sub3A_407 = arith.subf %sub3A_405, %mul3A_406 : vector<1024x1xf32>
    %div3A_408 = arith.divf %sub3A_407, %sqrt3A_157 : vector<1024x1xf32>
    %mul3A_409 = arith.mulf %div3A_147, %div3A_408 : vector<1024x1xf32>
    %sub3A_410 = arith.subf %div3A_378, %mul3A_409 : vector<1024x1xf32>
    %mul3A_411 = arith.mulf %div3A_235, %div3A_403 : vector<1024x1xf32>
    %sub3A_412 = arith.subf %sub3A_410, %mul3A_411 : vector<1024x1xf32>
    %mul3A_413 = arith.mulf %div3A_348, %div3A_400 : vector<1024x1xf32>
    %sub3A_414 = arith.subf %sub3A_412, %mul3A_413 : vector<1024x1xf32>
    %div3A_415 = arith.divf %sub3A_414, %sqrt3A : vector<1024x1xf32>
    %mul3A_416 = arith.mulf %div3A_79, %div3A_415 : vector<1024x1xf32>
    %sub3A_417 = arith.subf %div3A_375, %mul3A_416 : vector<1024x1xf32>
    %mul3A_418 = arith.mulf %div3A_144, %div3A_408 : vector<1024x1xf32>
    %sub3A_419 = arith.subf %sub3A_417, %mul3A_418 : vector<1024x1xf32>
    %mul3A_420 = arith.mulf %div3A_232, %div3A_403 : vector<1024x1xf32>
    %sub3A_421 = arith.subf %sub3A_419, %mul3A_420 : vector<1024x1xf32>
    %mul3A_422 = arith.mulf %div3A_345, %div3A_400 : vector<1024x1xf32>
    %sub3A_423 = arith.subf %sub3A_421, %mul3A_422 : vector<1024x1xf32>
    %div3A_424 = arith.divf %sub3A_423, %broadcast_in_dim3A_21 : vector<1024x1xf32>
    %eq3A_425 = vector.broadcast %broadcast_in_dim3A_30 : vector<1024x1xi32> to vector<1024x512xi32>
    %eq3A_426 = arith.cmpi eq, %iota3A, %eq3A_425 : vector<1024x512xi32>
    %convert_element_type3A_427 = arith.extui %eq3A_426 : vector<1024x512xi1> to vector<1024x512xi32>
    %convert_element_type3A_428 = arith.sitofp %convert_element_type3A_427 : vector<1024x512xi32> to vector<1024x512xf32>
    %mul3A_429 = vector.broadcast %div3A_424 : vector<1024x1xf32> to vector<1024x512xf32>
    %mul3A_430 = arith.mulf %mul3A_429, %convert_element_type3A_428 : vector<1024x512xf32>
    %eq3A_431 = vector.broadcast %broadcast_in_dim3A_63 : vector<1024x1xi32> to vector<1024x512xi32>
    %eq3A_432 = arith.cmpi eq, %iota3A, %eq3A_431 : vector<1024x512xi32>
    %convert_element_type3A_433 = arith.extui %eq3A_432 : vector<1024x512xi1> to vector<1024x512xi32>
    %convert_element_type3A_434 = arith.sitofp %convert_element_type3A_433 : vector<1024x512xi32> to vector<1024x512xf32>
    %mul3A_435 = vector.broadcast %div3A_415 : vector<1024x1xf32> to vector<1024x512xf32>
    %mul3A_436 = arith.mulf %mul3A_435, %convert_element_type3A_434 : vector<1024x512xf32>
    %add3A_437 = arith.addf %mul3A_430, %mul3A_436 : vector<1024x512xf32>
    %eq3A_438 = vector.broadcast %broadcast_in_dim3A_124 : vector<1024x1xi32> to vector<1024x512xi32>
    %eq3A_439 = arith.cmpi eq, %iota3A, %eq3A_438 : vector<1024x512xi32>
    %convert_element_type3A_440 = arith.extui %eq3A_439 : vector<1024x512xi1> to vector<1024x512xi32>
    %convert_element_type3A_441 = arith.sitofp %convert_element_type3A_440 : vector<1024x512xi32> to vector<1024x512xf32>
    %mul3A_442 = vector.broadcast %div3A_408 : vector<1024x1xf32> to vector<1024x512xf32>
    %mul3A_443 = arith.mulf %mul3A_442, %convert_element_type3A_441 : vector<1024x512xf32>
    %add3A_444 = arith.addf %add3A_437, %mul3A_443 : vector<1024x512xf32>
    %eq3A_445 = vector.broadcast %broadcast_in_dim3A_208 : vector<1024x1xi32> to vector<1024x512xi32>
    %eq3A_446 = arith.cmpi eq, %iota3A, %eq3A_445 : vector<1024x512xi32>
    %convert_element_type3A_447 = arith.extui %eq3A_446 : vector<1024x512xi1> to vector<1024x512xi32>
    %convert_element_type3A_448 = arith.sitofp %convert_element_type3A_447 : vector<1024x512xi32> to vector<1024x512xf32>
    %mul3A_449 = vector.broadcast %div3A_403 : vector<1024x1xf32> to vector<1024x512xf32>
    %mul3A_450 = arith.mulf %mul3A_449, %convert_element_type3A_448 : vector<1024x512xf32>
    %add3A_451 = arith.addf %add3A_444, %mul3A_450 : vector<1024x512xf32>
    %eq3A_452 = vector.broadcast %broadcast_in_dim3A_320 : vector<1024x1xi32> to vector<1024x512xi32>
    %eq3A_453 = arith.cmpi eq, %iota3A, %eq3A_452 : vector<1024x512xi32>
    %convert_element_type3A_454 = arith.extui %eq3A_453 : vector<1024x512xi1> to vector<1024x512xi32>
    %convert_element_type3A_455 = arith.sitofp %convert_element_type3A_454 : vector<1024x512xi32> to vector<1024x512xf32>
    %mul3A_456 = vector.broadcast %div3A_400 : vector<1024x1xf32> to vector<1024x512xf32>
    %mul3A_457 = arith.mulf %mul3A_456, %convert_element_type3A_455 : vector<1024x512xf32>
    %add3A_458 = arith.addf %add3A_451, %mul3A_457 : vector<1024x512xf32>
    %swap3A = arith.constant 0 : index
    %swap3A_459 = arith.constant 0 : index
    %swap3A_460 = vector.load %arg4[%swap3A, %swap3A_459] : memref<1024x512xf32, #tpu.memory_space<vmem>>, vector<1024x512xf32>
    tpu.vector_store %arg4[%swap3A, %swap3A_459], %add3A_458 {strides = array<i32>} : memref<1024x512xf32, #tpu.memory_space<vmem>>, vector<1024x512xf32>,
    %dot_general3A_461 = arith.constant dense<0.000000e+00> : vector<1024x64xf32>
    %dot_general3A_462 = tpu.matmul %add3A_458, %get3A_7, %dot_general3A_461 {dimension_numbers = #tpu.dot_dimension_numbers<[1], [0], [0], [1], [0, 0, 1, 1], [], []>, transpose_lhs_hint = false} : vector<1024x512xf32>, vector<512x64xf32>, vector<1024x64xf32> -> vector<1024x64xf32>
    %swap3A_463 = arith.constant 0 : index
    %swap3A_464 = arith.constant 0 : index
    %swap3A_465 = vector.load %arg5[%swap3A_463, %swap3A_464] : memref<1024x64xf32, #tpu.memory_space<vmem>>, vector<1024x64xf32>
    tpu.vector_store %arg5[%swap3A_463, %swap3A_464], %dot_general3A_462 {strides = array<i32>} : memref<1024x64xf32, #tpu.memory_space<vmem>>, vector<1024x64xf32>,
    %sub3A_466 = arith.subf %dot_general3A_462, %get3A_1 : vector<1024x64xf32>
    %mul3A_467 = arith.mulf %sub3A_466, %sub3A_466 : vector<1024x64xf32>
    %reduce_sum3A_468 = arith.constant dense<0.000000e+00> : vector<1024xf32>
    %reduce_sum3A_469 = vector.multi_reduction <add>, %mul3A_467, %reduce_sum3A_468 [1] : vector<1024x64xf32> to vector<1024xf32>
    %broadcast_in_dim3A_470 = vector.shape_cast %reduce_sum3A_469 : vector<1024xf32> to vector<1024x1xf32>
    %reduce_sum3A_471 = arith.constant dense<0.000000e+00> : vector<1xf32>
    %reduce_sum3A_472 = vector.multi_reduction <add>, %broadcast_in_dim3A_470, %reduce_sum3A_471 [0] : vector<1024x1xf32> to vector<1xf32>
    %broadcast_in_dim3A_473 = vector.shape_cast %reduce_sum3A_472 : vector<1xf32> to vector<1x1xf32>
    %eq3A_474 = arith.constant 0 : i32
    %eq3A_475 = arith.cmpi eq, %arg0, %eq3A_474 : i32
    %convert_element_type3A_476 = arith.extui %eq3A_475 : i1 to i32
    %cond3A = arith.constant 0 : i32
    %cond3A_477 = arith.cmpi ne, %convert_element_type3A_476, %cond3A : i32
    scf.if %cond3A_477 {
      %broadcast_in_dim3A_485 = arith.constant 0.000000e+00 : f32
      %broadcast_in_dim3A_486 = vector.broadcast %broadcast_in_dim3A_485 : f32 to vector<1x1xf32>
      %swap3A_487 = arith.constant 0 : index
      %swap3A_488 = arith.constant 0 : index
      %swap3A_489 = vector.load %arg6[%swap3A_487, %swap3A_488] : memref<1x1xf32, #tpu.memory_space<vmem>>, vector<1x1xf32>
      tpu.vector_store %arg6[%swap3A_487, %swap3A_488], %broadcast_in_dim3A_486 {strides = array<i32>} : memref<1x1xf32, #tpu.memory_space<vmem>>, vector<1x1xf32>,
    } else {
    }
    %get3A_478 = arith.constant 0 : index
    %get3A_479 = arith.constant 0 : index
    %get3A_480 = vector.load %arg6[%get3A_478, %get3A_479] : memref<1x1xf32, #tpu.memory_space<vmem>>, vector<1x1xf32>
    %add3A_481 = arith.addf %get3A_480, %broadcast_in_dim3A_473 : vector<1x1xf32>
    %swap3A_482 = arith.constant 0 : index
    %swap3A_483 = arith.constant 0 : index
    %swap3A_484 = vector.load %arg6[%swap3A_482, %swap3A_483] : memref<1x1xf32, #tpu.memory_space<vmem>>, vector<1x1xf32>
    tpu.vector_store %arg6[%swap3A_482, %swap3A_483], %add3A_481 {strides = array<i32>} : memref<1x1xf32, #tpu.memory_space<vmem>>, vector<1x1xf32>,
    return
  }
  func.func @transform_0(%arg0: i32) -> (i32, i32) {
    %c0_i32 = arith.constant 0 : i32
    %c0_i32_0 = arith.constant 0 : i32
    return %arg0, %c0_i32 : i32, i32
  }
  func.func @transform_1(%arg0: i32) -> (i32, i32) {
    %c0_i32 = arith.constant 0 : i32
    %c0_i32_0 = arith.constant 0 : i32
    %c0_i32_1 = arith.constant 0 : i32
    return %c0_i32, %c0_i32_0 : i32, i32
  }
  func.func @transform_2(%arg0: i32) -> (i32, i32) {
    %c0_i32 = arith.constant 0 : i32
    %c0_i32_0 = arith.constant 0 : i32
    %c0_i32_1 = arith.constant 0 : i32
    return %c0_i32, %c0_i32_0 : i32, i32
  }
  func.func @transform_3(%arg0: i32) -> (i32, i32) {
    %c0_i32 = arith.constant 0 : i32
    %c0_i32_0 = arith.constant 0 : i32
    return %arg0, %c0_i32 : i32, i32
  }
  func.func @transform_4(%arg0: i32) -> (i32, i32) {
    %c0_i32 = arith.constant 0 : i32
    %c0_i32_0 = arith.constant 0 : i32
    return %arg0, %c0_i32 : i32, i32
  }
  func.func @transform_5(%arg0: i32) -> (i32, i32) {
    %c0_i32 = arith.constant 0 : i32
    %c0_i32_0 = arith.constant 0 : i32
    %c0_i32_1 = arith.constant 0 : i32
    return %c0_i32, %c0_i32_0 : i32, i32
  }
}

</mosaic_0001>

<sc_bundles>
// kernel: sparse-core-data-format-call.cloned.1.call-start
scs
called_computation_lowered:
.L_overlay_start_0:
0x0: {  	s2 =	sld [smem:$0x3FD9]  }
0x1: {  	s3 =	sld [smem:$0x3FFE];
	_ =	sdelay $0x1  }
0x2: {  	s1 =	srdreg.scid  }
0x3: {  	s0 =	sand.u32 $0x1, s1  }
0x4: {  	s15 =	sshll.u32 s0, $0xA;
	s2 =	sadd.s32 s3, s2  }
0x5: {  	s2 =	sadd.s32 s2, s15  }
0x6: {  	[smem:$0x3FC6] =	sst s2  }
0x7: {  	_ = 	snop  }
0x8: {  	s2 =	sld [smem:$0x3FD0];
	_ =	sdelay $0x2  }
0x9: {  	s16 =	simm.s32 $0xA;
	s4 =	simm.s32 $0x10  }
0xa: {  	[smem:s4], [sflag:s16] =	dma.local [hbm:s2], $0x1  }
0xb: {  	_ =	swait.eq [sflag:s16], $0x1  }
0xc: {  	[sflag:s16] =	ssyncset.done $0x0  }
0xd: {  	[sflag:s16] =	ssyncadd.s32 $0xFFFFFFFF  }
0xe: {  	s17 =	sld [smem:$0x12];
	(tm) =	ssettm $0x1  }
0xf: {  	s18 =	sld [smem:$0x3FFB];
	_ =	sdelay $0x3  }
0x10: {  	_ =	strace s18  }
0x11: {  	s3 =	sld [smem:$0x3FFC];
	_ =	sdelay $0x3  }
0x12: {  	_ =	strace s3  }
0x13: {  	s3 =	sld [smem:$0x3FFD];
	_ =	sdelay $0x3  }
0x14: {  	_ =	strace s3  }
0x15: {  	_ =	strace $0x8FFFFFFF  }
0x16: {  	s19 =	sld [smem:$0x3FDB];
	_ =	sdelay $0x1  }
0x17: {  	s20 =	simm.s32 $_scs_section_size  }
0x18: {  	s5 =	simm.s32 $_size__tile_overlayer_lowered;
	s6 =	simm.s32 $_tile_overlayer_lowered  }
0x19: {  	s23 =	simm.s32 $0x1BFF;
	s22 =	sshll.u32 s6, $0x1;
	s3 =	sadd.s32 s20, s19  }
0x1a: {  	s7 =	simm.s32 $0x0;
	s21 =	sshll.u32 s5, $0x1;
	s5 =	sadd.s32 s22, s3  }
0x1b: {  	[timem:s7], [sflag:s23] =	dma.local [hbm:s5], s21  }
0x1c: {  	_ =	swait.ge [sflag:s23], s21  }
0x1d: {  	s4 =	ssub.s32 $0x0, s21;
	[sflag:s23] =	ssyncset.done $0x0  }
0x1e: {  	[sflag:s23] =	ssyncadd.s32 s4;
	_ =	sdelay $0x1  }
0x1f: {  	s24 =	simm.s32 $0x1B8B  }
0x20: {  	_ =	swait.ge [sflag:s24], $0x1  }
0x21: {  	[sflag:s24] =	ssyncset.done $0x0  }
0x22: {  	s26 =	simm.s32 $0x1B8E;
	s25 =	sld [smem:$0x3FFE];
	[sflag:s24] =	ssyncadd.s32 $0xFFFFFFFF  }
0x23: {  	s27 =	simm.s32 $execute0_lowered;
	[smem:$0x3FD2] =	sst s26  }
0x24: {  	s5 =	sshll.u32 s27, $0x1;
	_ =	strace $0x80000046;
	[dreg:$0x1] =	wrdreg $0xFFFFFFFF  }
0x25: {  	s28 =	simm.s32 $_size_execute0_lowered;
	s3 =	sadd.s32 s3, s5;
	[dreg:$0x0] =	wrdreg $0x0  }
0x26: {  	s5 =	sshll.u32 s28, $0x1;
	[dreg:$0x2] =	wrdreg s3  }
0x27: {  	[dreg:$0x3] =	wrdreg s5  }
0x28: {  	[dreg:$0x4] =	wrdreg $0xC0  }
0x29: {  	_ =	task [dreg:s7], $0x5FFFF  }
0x2a: {  	[dreg:$0x1] =	wrdreg $0xFFFFFFFF  }
0x2b: {  	[dreg:$0x0] =	wrdreg $0x60  }
0x2c: {  	[dreg:$0x2] =	wrdreg s25  }
0x2d: {  	[dreg:$0x3] =	wrdreg s17  }
0x2e: {  	[dreg:$0x4] =	wrdreg $0x9  }
0x2f: {  	_ =	task.clear_ibuf [dreg:s7], $0x5FFFF;
	_ =	strace $0x90000046  }
0x30: {  	s29 =	simm.s32 $0x9;
	_ =	strace $0x80000048  }
0x31: {  	_ =	swait.ge [sflag:s29], $0x1  }
0x32: {  	[sflag:s29] =	ssyncadd.s32 $0xFFFFFFFF  }
0x33: {  	_ =	strace $0x90000048  }
0x34: {  	_ =	sfence  }
0x35: {  	s30 =	sld [smem:$0x0];
	_ =	sdelay $0x2  }
0x36: {  	s31 =	sshll.u32 s1, $0xD;
	s1 =	sshrl.u32 s1, $0x2  }
0x37: {  	s3 =	sand.u32 $0x4000, s31;
	s1 =	sadd.s32 s1, s30  }
0x38: {  	s0 =	sor.u32 s3, s0;
	s1 =	sshll.u32 s1, $0x11  }
0x39: {  	s0 =	sor.u32 s1, s0  }
0x3a: {  	s0 =	sadd.s32 $0x8F2B, s0  }
0x3b: {  	[sflag:s0] =	ssyncadd.remote.s32 $0x1  }
0x3c: {  	_ =	sfence.sel $0xFFFF  }
0x3d: {  	[dreg:$0x0] =	wrdreg $0xFFFFFFFF;
	(pc) =	sbr.abs _section_cstart, $3  }
0x3e: {  	[dreg:$0x1] =	wrdreg $0xFFFFFFFF  }
0x3f: {  	_ =	task.clear_ibuf [dreg:s7], $0x2FFFF;
	_ =	strace $0x9FFFFFFF  }
0x40: {  	(tm) =	ssettm $0x7FFFFFFF  }
0x41: {  	_ =	shalt  }
tec
execute0_lowered:
.L_overlay_start_1:
0x0: {  	(tag) =	ssettag $0x1  }
0x1: {  	s0 =	srdreg.scid  }
0x2: {  	s1 =	sshll.u32 s0, $0x4  }
0x3: {  	s6 =	rddreg [dreg:$0x0];
	s0 =	stileid.u32;
	s1 =	sand.u32 $0x10, s1  }
0x4: {  	s3 =	rddreg [dreg:$0x1];
	s5 =	simm.s32 $0x1;
	s1 =	sor.u32 s0, s1  }
0x5: {  	s31 =	simm.s32 $0x2;
	s13 =	simm.s32 $0x0;
	s2 =	sshll.u32 s1, $0x7  }
0x6: {  	s8 =	simm.s32 $0x20000;
	s12 =	simm.s32 $0x0;
	s4 =	ssub.s32 $0x4000, s2  }
0x7: {  	s9 =	simm.s32 $0x0;
	s11 =	simm.s32 $0x0;
	s30 =	sand.u32 $0xF80, s4  }
.Ltmp0:
0x8: {  	s6 =	sadd.s32 $0x200, s6;
	p0 =	sne.s32 s30, $0x0;
	(pc) =	sbr.rel .LBB1_1-.Ltmp0, $4  }
0x9: {  	s1 =	rddreg [dreg:$0x2];
	s7 =	sshrl.u32 s4, $0xC;
	s5 =	simm.s32 @!p0 $0x0  }
0xa: {  	_ =	strace $0x80000047;
	s4 =	simm.s32 $0x1;
	s5 =	sadd.s32 s5, s7  }
0xb: {  	s10 =	smov.u32 s2;
	[sflag:s4] =	ssyncpa.u1 $0x0;
	s5 =	sshll.u32 s5, $0x2  }
0xc: {  	[sflag:s31] =	ssyncpa.u1 $0x0;
	p0 =	por $0x0, $0x0;
	s7 =	sor.u32 $0x1, s5  }
.LBB1_4:
0xd: {  	v5 =	vld [tilespmem:s16+$0xFFFFFFD0]  }
0xe: {  	[tilespmem:s17+$0x2040 ss:$0x81] =	vst.msk $0xffff, v1;
	v58 =	vld [tilespmem:s16+$0xFFFFFFE0]  }
0xf: {  	[tilespmem:s17+$0x2850 ss:$0x81] =	vst.msk $0xffff, v2;
	v59 =	vld [tilespmem:s16+$0xFFFFFFF0]  }
0x10: {  	s18 =	sshra.s32 s18, $0x2;
	[tilespmem:s17+$0x3060 ss:$0x81] =	vst.msk $0xffff, v3;
	v60 =	vld [tilespmem:s16+$0x0]  }
0x11: {  	[tilespmem:s17+$0x0 ss:$0x81] =	vst.msk $0xffff, v0;
	v61 =	vld [tilespmem:s16+$0x10];
	s15 =	sadd.s32 s18, s15  }
0x12: {  	s26 =	sshll.u32 s13, $0xE;
	v62 =	vld [tilespmem:s16+$0x20];
	[tilespmem:s15+$0x3870 ss:$0x81] =	vst.msk $0xffff, v4  }
0x13: {  	s27 =	sand.u32 $0x78, s12;
	s19 =	sshll.u32 s12, $0x3;
	v63 =	vld [tilespmem:s16+$0xFFFFFFC0];
	s29 =	sshll.u32 s13, $0x7;
	[tilespmem:s15+$0x810 ss:$0x81] =	vst.msk $0xffff, v5  }
0x14: {  	s17 =	sand.u32 $0x7E0000, s26;
	s28 =	sand.u32 $0x7FFC00, s19;
	s19 =	sand.u32 $0x3C00, s19;
	[tilespmem:s15+$0x1020 ss:$0x81] =	vst.msk $0xffff, v58  }
0x15: {  	s13 =	sand.u32 $0x380, s29;
	s16 =	sadd.s32 s28, s17;
	s30 =	sor.u32 s27, s19;
	[tilespmem:s15+$0x1830 ss:$0x81] =	vst.msk $0xffff, v59  }
0x16: {  	s16 =	sand.u32 $0x7FC000, s16;
	s13 =	sor.u32 s13, s30;
	[tilespmem:s15+$0x2040 ss:$0x81] =	vst.msk $0xffff, v60  }
0x17: {  	s31 =	sand.u32 $0x7, s12;
	s13 =	sor.u32 s16, s13;
	[tilespmem:s15+$0x2850 ss:$0x81] =	vst.msk $0xffff, v61  }
0x18: {  	s12 =	sshll.u32 s31, $0x12;
	[tilespmem:s15+$0x3060 ss:$0x81] =	vst.msk $0xffff, v62;
	s13 =	sshrl.u32 s13, $0x3  }
0x19: {  	s12 =	sor.u32 $0x400, s12;
	[tilespmem:s15+$0x0 ss:$0x81] =	vst.msk $0xffff, v63;
	s13 =	sadd.s32 s3, s13  }
0x1a: {  	[hbm4b:s13+s12] =	stream.strided.scatter [tilespmem:s14], [sflag:$0x2], $0x4000, s8, s12, $0x20;
	[tilespmem:$0x10100] =	vst v63  }
.LBB1_5:
0x1b: {  	s14 =	sadd.s32 $0x80, s9  }
0x1c: {  	s12 =	sadd.s32 $0x1000, s10;
	s16 =	smov.u32 s10;
	p2 =	sgt.s32 s14, $0x1FF  }
0x1d: {  	s16 =	smov.u32 @p2 s12  }
0x1e: {  	s14 =	simm.s32 @p2 $0x0;
	p2 =	sgt.s32 s16, $0x3FFF  }
0x1f: {  	s16 =	smov.u32 @p2 s2;
	p2 =	sne.s32 s11, s7  }
.Ltmp1:
0x20: {  	p1 =	slt.u32 s11, $0x2;
	(pc) =	sbr.rel @!p2 .LBB1_6-.Ltmp1, $4  }
0x21: {  	s15 =	simm.s32 @!p1 $0x2  }
0x22: {  	s13 =	smov.u32 s9;
	p0 =	por !p0, !p0;
	_ =	swait.ge @!p1 [sflag:s15], $0x4000  }
0x23: {  	s12 =	smov.u32 s10;
	[sflag:s15] =	ssyncset.done @!p1 $0x0;
	s9 =	smov.u32 s14  }
0x24: {  	s11 =	sadd.s32 $0x1, s11;
	[sflag:s15] =	ssyncadd.s32 @!p1 $0xFFFFC000;
	s10 =	smov.u32 s16  }
.LBB1_1:
0x25: {  	p1 =	sge.u32 s11, s5  }
0x26: {  	s31 =	sadd.s32 $0xFFFFFFFF, s11;
	s14 =	sshll.u32 @!p1 s10, $0x9  }
0x27: {  	s15 =	sshll.u32 @!p1 s9, $0x3;
	s16 =	sshll.u32 @!p1 s10, $0x7;
	s14 =	sand.u32 @!p1 $0x7FF000, s14  }
0x28: {  	s17 =	sand.u32 @!p1 $0x78, s9;
	s14 =	sadd.s32 @!p1 s14, s15;
	s15 =	sand.u32 @!p1 $0x380, s16  }
0x29: {  	s16 =	sxor.u32 @!p1 $0xFFFFFFFF, s11;
	s14 =	sand.u32 @!p1 $0x7FFC00, s14;
	s15 =	sor.u32 @!p1 s15, s17  }
0x2a: {  	s16 =	sshll.u32 @!p1 s16, $0xE;
	s14 =	sor.u32 @!p1 s14, s15;
	s15 =	sand.u32 @!p1 $0x7, s9  }
0x2b: {  	s17 =	simm.s32 @!p1 $0x1000;
	s14 =	sshrl.u32 @!p1 s14, $0x3;
	s15 =	sshll.u32 @!p1 s15, $0x12  }
0x2c: {  	s16 =	sand.u32 @!p1 $0x4000, s16;
	s14 =	sadd.s32 @!p1 s6, s14;
	s15 =	sor.u32 @!p1 $0x400, s15  }
0x2d: {  	[tilespmem:s16], [sflag:$0x1] =	stream.strided.gather @!p1 [hbm4b:s14+s15], $0x4000, s17, s15, $0x38;
	[tilespmem:$0x10100] =	vst v63  }
0x2e: {  	p1 =	sge.u32 s31, s5  }
.Ltmp2:
0x2f: {  	_ = 	snop;
	(pc) =	sbr.rel @p1 .LBB1_5-.Ltmp2, $1  }
0x30: {  	_ =	sdelay $0x3  }
0x31: {  	s14 =	simm.s32 $0x1  }
0x32: {  	_ =	swait.ge [sflag:s4], $0x4000;
	s14 =	simm.s32 @!p0 $0x0  }
0x33: {  	[sflag:s4] =	ssyncset.done $0x0;
	s15 =	sshll.u32 s14, $0xE  }
0x34: {  	[sflag:s4] =	ssyncadd.s32 $0xFFFFC000;
	s16 =	sor.u32 $0x40, s15  }
0x35: {  	s14 =	smul.u32 $0x10200, s14;
	v0 =	vld [tilespmem:s16+$0x30]  }
0x36: {  	v3 =	vld [tilespmem:s16+$0xFFFFFFD0]  }
0x37: {  	s14 =	sshrl.u32 s14, $0x2;
	v4 =	vld [tilespmem:s16+$0xFFFFFFE0]  }
0x38: {  	v5 =	vld [tilespmem:s16+$0xFFFFFFF0];
	s15 =	sor.u32 $0x8000, s14  }
0x39: {  	s31 =	sand.u32 $0x1, s11;
	v1 =	vld [tilespmem:s16+$0x0];
	s17 =	sadd.s32 $0x0, s15  }
0x3a: {  	v2 =	vld [tilespmem:s16+$0x10];
	s14 =	smul.u32 $0x10200, s31;
	[tilespmem:s17+$0x3870 ss:$0x81] =	vst.msk $0xffff, v0  }
0x3b: {  	[tilespmem:s17+$0x810 ss:$0x81] =	vst.msk $0xffff, v3;
	v3 =	vld [tilespmem:s16+$0x20]  }
0x3c: {  	s14 =	sshrl.u32 s14, $0x2;
	v0 =	vld [tilespmem:s16+$0xFFFFFFC0];
	[tilespmem:s17+$0x1020 ss:$0x81] =	vst.msk $0xffff, v4;
	s16 =	sadd.s32 $0x80, s16  }
0x3d: {  	s18 =	simm.s32 $0x4;
	s19 =	simm.s32 $0x8;
	s14 =	sor.u32 $0x8000, s14;
	[tilespmem:s17+$0x1830 ss:$0x81] =	vst.msk $0xffff, v5;
	v4 =	vld [tilespmem:s16+$0x30]  }
.LBB1_3:
0x3e: {  	p1 =	sne.s32 s19, $0x1FC;
	v5 =	vld [tilespmem:s16+$0xFFFFFFD0];
	[tilespmem:s17+$0x2040 ss:$0x81] =	vst.msk $0xffff, v1  }
0x3f: {  	v6 =	vld [tilespmem:s16+$0xFFFFFFE0];
	[tilespmem:s17+$0x2850 ss:$0x81] =	vst.msk $0xffff, v2  }
0x40: {  	s20 =	sshra.s32 s18, $0x2;
	s18 =	smov.u32 s19;
	v7 =	vld [tilespmem:s16+$0xFFFFFFF0];
	[tilespmem:s17+$0x3060 ss:$0x81] =	vst.msk $0xffff, v3  }
.Ltmp3:
0x41: {  	v1 =	vld [tilespmem:s16+$0x0];
	[tilespmem:s17+$0x0 ss:$0x81] =	vst.msk $0xffff, v0;
	s17 =	sadd.s32 s20, s15;
	(pc) =	sbr.rel @p1 .LBB1_3-.Ltmp3, $4  }
0x42: {  	v2 =	vld [tilespmem:s16+$0x10];
	[tilespmem:s17+$0x3870 ss:$0x81] =	vst.msk $0xffff, v4  }
0x43: {  	[tilespmem:s17+$0x810 ss:$0x81] =	vst.msk $0xffff, v5;
	v3 =	vld [tilespmem:s16+$0x20]  }
0x44: {  	v0 =	vld [tilespmem:s16+$0xFFFFFFC0];
	[tilespmem:s17+$0x1020 ss:$0x81] =	vst.msk $0xffff, v6;
	s16 =	sadd.s32 $0x80, s16  }
0x45: {  	s19 =	sadd.s32 $0x4, s19;
	v4 =	vld [tilespmem:s16+$0x30];
	[tilespmem:s17+$0x1830 ss:$0x81] =	vst.msk $0xffff, v7  }
.Ltmp4:
0x46: {  	_ = 	snop;
	(pc) =	sbr.rel .LBB1_4-.Ltmp4, $1  }
0x47: {  	_ =	sdelay $0x3  }
.LBB1_6:
0x48: {  	_ =	sfence.sel $0x180000  }
0x49: {  	s2 =	simm.s32 $0x1;
	[bflag:$0x0] =	sbarrier.arrive $0xFFFF  }
0x4a: {  	s31 =	simm.s32 $0x2;
	[sflag:s2] =	ssyncpa.u1 $0x1  }
0x4b: {  	[sflag:s31] =	ssyncpa.u1 $0x1  }
0x4c: {  	p0 =	sne.s32 s0, $0x0;
	_ =	strace $0x90000047  }
0x4d: {  	s0 =	sadd.s32 @!p0 $0x100000, s1;
	[bflag:$0x2] =	sbarrier.arrive $0xFFFF  }
0x4e: {  	[sflag:s0] =	ssyncadd.tile.s32 @!p0 $0x1;
	_ =	shalt  }
.Lfunc_end1:
_tile_overlayer_lowered:
.L_overlay_start_2:
0x4f: {  	(tag) =	ssettag $0x2  }
0x50: {  	s0 =	rddreg [dreg:$0x0];
	s2 =	stileid.u32  }
0x51: {  	s1 =	rddreg [dreg:$0x1];
	p0 =	sne.s32 s2, $0x0  }
0x52: {  	s3 =	rddreg [dreg:$0x2];
	[bflag:$0x3] =	sbarrier.arrive $0xFFFF;
	s2 =	simm.s32 @!p0 $0x1C01  }
0x53: {  	[timem:s3], [sflag:s2] =	dma.local @!p0 [hbm:s0], s1  }
0x54: {  	s0 =	simm.s32 @!p0 $0x1  }
0x55: {  	_ =	swait.ge @!p0 [sflag:s0], s1  }
0x56: {  	s1 =	ssub.s32 @!p0 $0x0, s1;
	[sflag:s0] =	ssyncset.done @!p0 $0x0  }
0x57: {  	[sflag:s0] =	ssyncadd.s32 @!p0 s1  }
0x58: {  	[bflag:$0x3] =	sbarrier.arrive $0xFFFF  }
0x59: {  	_ =	shalt  }

</sc_bundles>
